<compile_context>
chip_gen: v7x
topology: tpu7x:2x2x1
jax: 0.10.2.dev20260603
libtpu: 0.0.44.dev20260713+nightly
codegen_flags: <defaults>
</compile_context>

<pallas_src>
import dataclasses
import functools

import jax
import jax.numpy as jnp
from jax import lax
from jax.experimental import pallas as pl
from jax.experimental.pallas import tpu as pltpu
from jax.experimental.pallas import tpu_sc as plsc

HEIGHT = 10
D = 2048
N_NODES = 2046
NP = 2048
BM = 512
BATCH = 4096
NW = 32
BPW = BATCH // NW
L = 16


def _scores_kernel(x_ref, w_ref, xi_ref, c_ref):
    f = jax.lax.dot_general(
        x_ref[...].astype(jnp.bfloat16), w_ref[...],
        (((1,), (0,)), ((), ())),
        preferred_element_type=jnp.float32)
    fb = f.astype(jnp.bfloat16)
    s = jax.lax.dot_general(
        fb, xi_ref[...], (((1,), (0,)), ((), ())),
        preferred_element_type=jnp.float32)
    r = jnp.concatenate([s[:, 1:], s[:, :1]], axis=1)
    c_ref[...] = (s >= r).astype(jnp.int32)


_SC_MESH = plsc.VectorSubcoreMesh(core_axis_name="c", subcore_axis_name="s")

_SC_CP = pltpu.CompilerParams()
if "needs_layout_passes" in pltpu.CompilerParams.__dataclass_fields__:
    _SC_CP = dataclasses.replace(_SC_CP, needs_layout_passes=False)


@functools.partial(
    pl.kernel,
    mesh=_SC_MESH,
    compiler_params=_SC_CP,
    out_type=jax.ShapeDtypeStruct((NW, HEIGHT, BPW), jnp.int32),
    scratch_types=[
        pltpu.VMEM((L, NP), jnp.int32),
        pltpu.VMEM((HEIGHT, BPW), jnp.int32),
        pltpu.SemaphoreType.DMA,
    ],
)
def _sc_descend(c_hbm, out_hbm, rows_v, path_v, sem):
    wid = lax.axis_index("s") * 2 + lax.axis_index("c")
    base = wid * BPW

    @pl.loop(0, BPW, step=L)
    def _sub(j):
        pltpu.sync_copy(c_hbm.at[pl.ds(base + j, L)], rows_v)
        lanes = lax.iota(jnp.int32, L)
        node = jnp.zeros((L,), jnp.int32)
        for h in range(HEIGHT):
            bit = plsc.load_gather(rows_v, [lanes, 2 * node])
            node = 2 * node + 2 - bit
            path_v[h, pl.ds(j, L)] = node

    pltpu.sync_copy(path_v, out_hbm.at[wid])


def kernel(X, W, Xi):
    batch = X.shape[0]
    wb = W.astype(jnp.bfloat16)
    xib = jnp.pad(Xi.astype(jnp.bfloat16), ((0, 0), (0, NP - N_NODES)))

    c = pl.pallas_call(
        _scores_kernel,
        grid=(batch // BM,),
        in_specs=[
            pl.BlockSpec((BM, D), lambda i: (i, 0)),
            pl.BlockSpec((D, D), lambda i: (0, 0)),
            pl.BlockSpec((D, NP), lambda i: (0, 0)),
        ],
        out_specs=pl.BlockSpec((BM, NP), lambda i: (i, 0)),
        out_shape=jax.ShapeDtypeStruct((batch, NP), jnp.int32),
    )(X, wb, xib)

    paths = _sc_descend(c)
    paths = paths.transpose(0, 2, 1).reshape(batch, HEIGHT)
    root = jnp.zeros((batch, 1), dtype=jnp.int32)
    return jnp.concatenate([root, paths], axis=1)

# --- scband reference (transcript-rebuilt; emitter-appended) ---
"""Pipeline reference for scband-custom-prediction-30940944401003 (READ-ONLY COPY).

The authoritative reference and input builder live on the scoring server;
editing this copy changes nothing except your own understanding.
"""

import jax, jax.numpy as jnp
import numpy as np

HEIGHT = 10
BR = 2
BATCH = 4096
D_IN = 2048
D_F = 2048
N_NODES = (BR ** (HEIGHT + 1) - BR) // (BR - 1)  # 2046, heap-numbered ids 1..N_NODES, virtual root id 0


def setup_inputs(seed: int = 0) -> dict:
    key = jax.random.key(seed)
    k1, k2, k3 = jax.random.split(key, 3)
    X = jax.random.normal(k1, (BATCH, D_IN), dtype=jnp.float32)
    # 'model' from the torch forward, materialized as a linear map f = X @ W
    W = jax.random.normal(k2, (D_IN, D_F), dtype=jnp.float32) / np.sqrt(D_IN)
    # TreeEmbedding.xi -> Xi[d_f, n_nodes]; column (id-1) is the embedding of tree node id
    Xi = jax.random.normal(k3, (D_F, N_NODES), dtype=jnp.float32)
    return {"X": X, "W": W, "Xi": Xi}


def _descend(fx, Xi):
    # heap-numbered complete BR-ary tree: children(id) = id*BR + 1 ... id*BR + BR
    offs = jnp.arange(1, BR + 1, dtype=jnp.int32)

    def step(c, _):
        child_ids = c * BR + offs                       # node ids of children of current node c
        cols = jnp.take(Xi, child_ids - 1, axis=1)      # Xi[:, lm]  -> [D_F, BR]
        g = cols.T @ fx                                  # torch.matmul(Xi[:, lm].T, fx)
        j = jnp.argmax(g)
        nxt = child_ids[j]                               # lm[argmax(g)] + 1
        return nxt, nxt

    _, path = jax.lax.scan(step, jnp.int32(0), xs=None, length=HEIGHT)
    return path


def reference(X, W, Xi):
    f = X @ W                                            # f = model(X)
    paths = jax.vmap(lambda fx: _descend(fx, Xi))(f)     # [BATCH, HEIGHT]
    root = jnp.zeros((X.shape[0], 1), dtype=jnp.int32)   # y_pred[:, 0] = 0
    y_pred = jnp.concatenate([root, paths], axis=1)      # [BATCH, HEIGHT + 1]
    return y_pred

if __name__ == "__main__":
    import jax
    _d = setup_inputs()
    print(jax.jit(kernel)(*tuple(_d.values())))

</pallas_src>

<mosaic_0001>
#map = affine_map<(d0, d1) -> (0, 0)>
#map1 = affine_map<(d0, d1) -> (0, 0, 0)>
module attributes {stable_mosaic.version = 14 : i64} {
  func.func @_sc_descend(%arg0: i32, %arg1: i32, %arg2: memref<4096x2048xi32, #tpu.memory_space<hbm>>, %arg3: memref<32x10x128xi32, #tpu.memory_space<hbm>>, %arg4: memref<16x2048xi32, #tpu.memory_space<vmem>>, %arg5: memref<10x128xi32, #tpu.memory_space<vmem>>, %arg6: memref<!tpu.dma_semaphore, #tpu.memory_space<semaphore_mem>>) attributes {dimension_semantics = [#tpu.dimension_semantics<core_parallel>, #tpu.dimension_semantics<subcore_parallel>], iteration_bounds = array<i64: 2, 16>, scalar_prefetch = 0 : i64, scratch_operands = 3 : i64, tpu.core_type = #tpu.core_type<sc_vector_subcore>, window_params = [{transform_indices = #map}, {transform_indices = #map1}]} {
    %mul3A = arith.constant 2 : i32
    %mul3A_0 = arith.muli %arg1, %mul3A : i32
    %add3A = arith.addi %mul3A_0, %arg0 : i32
    %mul3A_1 = arith.constant 128 : i32
    %mul3A_2 = arith.muli %add3A, %mul3A_1 : i32
    %scan3A = arith.constant 0 : i32
    %scan3A_3 = arith.constant 8 : i32
    %scan3A_4 = arith.addi %scan3A, %scan3A_3 : i32
    %scan3A_5 = arith.constant 1 : i32
    scf.for %scan3A_7 = %scan3A to %scan3A_4 step %scan3A_5  : i32 {
      %mul3A_8 = arith.constant 16 : i32
      %mul3A_9 = arith.muli %scan3A_7, %mul3A_8 : i32
      %add3A_10 = arith.constant 0 : i32
      %add3A_11 = arith.addi %add3A_10, %mul3A_9 : i32
      %add3A_12 = arith.addi %mul3A_2, %add3A_11 : i32
      "tpu.region"() ({
        %run_scoped3A = tpu.sem_alloc : memref<!tpu.dma_semaphore, #tpu.memory_space<semaphore_mem>>
        %dma_start3A = arith.constant 0 : i32
        %dma_start3A_161 = tpu.memref_slice %arg2[%add3A_12, %dma_start3A] : memref<4096x2048xi32, #tpu.memory_space<hbm>> -> memref<16x2048xi32, #tpu.memory_space<hbm>>
        %dma_start3A_162 = arith.constant 0 : i32
        %dma_start3A_163 = tpu.memref_slice %arg2[%add3A_12, %dma_start3A_162] : memref<4096x2048xi32, #tpu.memory_space<hbm>> -> memref<16x2048xi32, #tpu.memory_space<hbm>>
        tpu.enqueue_dma source(%dma_start3A_163 : memref<16x2048xi32, #tpu.memory_space<hbm>>) target(%arg4 : memref<16x2048xi32, #tpu.memory_space<vmem>>) target_semaphore(%run_scoped3A : memref<!tpu.dma_semaphore, #tpu.memory_space<semaphore_mem>>)
        %dma_wait3A = arith.constant 0 : i32
        %dma_wait3A_164 = tpu.memref_slice %arg2[%add3A_12, %dma_wait3A] : memref<4096x2048xi32, #tpu.memory_space<hbm>> -> memref<16x2048xi32, #tpu.memory_space<hbm>>
        %dma_wait3A_165 = arith.constant 0 : i32
        %dma_wait3A_166 = tpu.memref_slice %arg2[%add3A_12, %dma_wait3A_165] : memref<4096x2048xi32, #tpu.memory_space<hbm>> -> memref<16x2048xi32, #tpu.memory_space<hbm>>
        tpu.wait_dma2 semaphore(%run_scoped3A : memref<!tpu.dma_semaphore, #tpu.memory_space<semaphore_mem>>) src(%dma_wait3A_166 : memref<16x2048xi32, #tpu.memory_space<hbm>>) dst(%arg4 : memref<16x2048xi32, #tpu.memory_space<vmem>>)
        tpu.yield
      }) : () -> ()
      %iota3A = tpu.iota {dimensions = array<i32: 0>} : vector<16xi32>
      %broadcast_in_dim3A = arith.constant 0 : i32
      %broadcast_in_dim3A_13 = vector.broadcast %broadcast_in_dim3A : i32 to vector<16xi32>
      %mul3A_14 = arith.constant 2 : i32
      %mul3A_15 = vector.broadcast %mul3A_14 : i32 to vector<16xi32>
      %mul3A_16 = arith.muli %mul3A_15, %broadcast_in_dim3A_13 : vector<16xi32>
      %gather3A = tpu.vector_load_idx %arg4[%iota3A, %mul3A_16] : memref<16x2048xi32, #tpu.memory_space<vmem>>[vector<16xi32>, vector<16xi32>], vector<16xi32>,
      %mul3A_17 = arith.constant 2 : i32
      %mul3A_18 = vector.broadcast %mul3A_17 : i32 to vector<16xi32>
      %mul3A_19 = arith.muli %mul3A_18, %broadcast_in_dim3A_13 : vector<16xi32>
      %add3A_20 = arith.constant 2 : i32
      %add3A_21 = vector.broadcast %add3A_20 : i32 to vector<16xi32>
      %add3A_22 = arith.addi %mul3A_19, %add3A_21 : vector<16xi32>
      %sub3A = arith.subi %add3A_22, %gather3A : vector<16xi32>
      %swap3A = arith.constant 0 : i32
      %swap3A_23 = arith.index_cast %swap3A : i32 to index
      %swap3A_24 = arith.index_cast %add3A_11 : i32 to index
      %swap3A_25 = tpu.vector_load %arg5[%swap3A_23, %swap3A_24] {strides = array<i32>} : memref<10x128xi32, #tpu.memory_space<vmem>>, vector<16xi32>,
      tpu.vector_store %arg5[%swap3A_23, %swap3A_24], %sub3A {strides = array<i32>} : memref<10x128xi32, #tpu.memory_space<vmem>>, vector<16xi32>,
      %mul3A_26 = arith.constant 2 : i32
      %mul3A_27 = vector.broadcast %mul3A_26 : i32 to vector<16xi32>
      %mul3A_28 = arith.muli %mul3A_27, %sub3A : vector<16xi32>
      %gather3A_29 = tpu.vector_load_idx %arg4[%iota3A, %mul3A_28] : memref<16x2048xi32, #tpu.memory_space<vmem>>[vector<16xi32>, vector<16xi32>], vector<16xi32>,
      %mul3A_30 = arith.constant 2 : i32
      %mul3A_31 = vector.broadcast %mul3A_30 : i32 to vector<16xi32>
      %mul3A_32 = arith.muli %mul3A_31, %sub3A : vector<16xi32>
      %add3A_33 = arith.constant 2 : i32
      %add3A_34 = vector.broadcast %add3A_33 : i32 to vector<16xi32>
      %add3A_35 = arith.addi %mul3A_32, %add3A_34 : vector<16xi32>
      %sub3A_36 = arith.subi %add3A_35, %gather3A_29 : vector<16xi32>
      %swap3A_37 = arith.constant 1 : i32
      %swap3A_38 = arith.index_cast %swap3A_37 : i32 to index
      %swap3A_39 = arith.index_cast %add3A_11 : i32 to index
      %swap3A_40 = tpu.vector_load %arg5[%swap3A_38, %swap3A_39] {strides = array<i32>} : memref<10x128xi32, #tpu.memory_space<vmem>>, vector<16xi32>,
      tpu.vector_store %arg5[%swap3A_38, %swap3A_39], %sub3A_36 {strides = array<i32>} : memref<10x128xi32, #tpu.memory_space<vmem>>, vector<16xi32>,
      %mul3A_41 = arith.constant 2 : i32
      %mul3A_42 = vector.broadcast %mul3A_41 : i32 to vector<16xi32>
      %mul3A_43 = arith.muli %mul3A_42, %sub3A_36 : vector<16xi32>
      %gather3A_44 = tpu.vector_load_idx %arg4[%iota3A, %mul3A_43] : memref<16x2048xi32, #tpu.memory_space<vmem>>[vector<16xi32>, vector<16xi32>], vector<16xi32>,
      %mul3A_45 = arith.constant 2 : i32
      %mul3A_46 = vector.broadcast %mul3A_45 : i32 to vector<16xi32>
      %mul3A_47 = arith.muli %mul3A_46, %sub3A_36 : vector<16xi32>
      %add3A_48 = arith.constant 2 : i32
      %add3A_49 = vector.broadcast %add3A_48 : i32 to vector<16xi32>
      %add3A_50 = arith.addi %mul3A_47, %add3A_49 : vector<16xi32>
      %sub3A_51 = arith.subi %add3A_50, %gather3A_44 : vector<16xi32>
      %swap3A_52 = arith.constant 2 : i32
      %swap3A_53 = arith.index_cast %swap3A_52 : i32 to index
      %swap3A_54 = arith.index_cast %add3A_11 : i32 to index
      %swap3A_55 = tpu.vector_load %arg5[%swap3A_53, %swap3A_54] {strides = array<i32>} : memref<10x128xi32, #tpu.memory_space<vmem>>, vector<16xi32>,
      tpu.vector_store %arg5[%swap3A_53, %swap3A_54], %sub3A_51 {strides = array<i32>} : memref<10x128xi32, #tpu.memory_space<vmem>>, vector<16xi32>,
      %mul3A_56 = arith.constant 2 : i32
      %mul3A_57 = vector.broadcast %mul3A_56 : i32 to vector<16xi32>
      %mul3A_58 = arith.muli %mul3A_57, %sub3A_51 : vector<16xi32>
      %gather3A_59 = tpu.vector_load_idx %arg4[%iota3A, %mul3A_58] : memref<16x2048xi32, #tpu.memory_space<vmem>>[vector<16xi32>, vector<16xi32>], vector<16xi32>,
      %mul3A_60 = arith.constant 2 : i32
      %mul3A_61 = vector.broadcast %mul3A_60 : i32 to vector<16xi32>
      %mul3A_62 = arith.muli %mul3A_61, %sub3A_51 : vector<16xi32>
      %add3A_63 = arith.constant 2 : i32
      %add3A_64 = vector.broadcast %add3A_63 : i32 to vector<16xi32>
      %add3A_65 = arith.addi %mul3A_62, %add3A_64 : vector<16xi32>
      %sub3A_66 = arith.subi %add3A_65, %gather3A_59 : vector<16xi32>
      %swap3A_67 = arith.constant 3 : i32
      %swap3A_68 = arith.index_cast %swap3A_67 : i32 to index
      %swap3A_69 = arith.index_cast %add3A_11 : i32 to index
      %swap3A_70 = tpu.vector_load %arg5[%swap3A_68, %swap3A_69] {strides = array<i32>} : memref<10x128xi32, #tpu.memory_space<vmem>>, vector<16xi32>,
      tpu.vector_store %arg5[%swap3A_68, %swap3A_69], %sub3A_66 {strides = array<i32>} : memref<10x128xi32, #tpu.memory_space<vmem>>, vector<16xi32>,
      %mul3A_71 = arith.constant 2 : i32
      %mul3A_72 = vector.broadcast %mul3A_71 : i32 to vector<16xi32>
      %mul3A_73 = arith.muli %mul3A_72, %sub3A_66 : vector<16xi32>
      %gather3A_74 = tpu.vector_load_idx %arg4[%iota3A, %mul3A_73] : memref<16x2048xi32, #tpu.memory_space<vmem>>[vector<16xi32>, vector<16xi32>], vector<16xi32>,
      %mul3A_75 = arith.constant 2 : i32
      %mul3A_76 = vector.broadcast %mul3A_75 : i32 to vector<16xi32>
      %mul3A_77 = arith.muli %mul3A_76, %sub3A_66 : vector<16xi32>
      %add3A_78 = arith.constant 2 : i32
      %add3A_79 = vector.broadcast %add3A_78 : i32 to vector<16xi32>
      %add3A_80 = arith.addi %mul3A_77, %add3A_79 : vector<16xi32>
      %sub3A_81 = arith.subi %add3A_80, %gather3A_74 : vector<16xi32>
      %swap3A_82 = arith.constant 4 : i32
      %swap3A_83 = arith.index_cast %swap3A_82 : i32 to index
      %swap3A_84 = arith.index_cast %add3A_11 : i32 to index
      %swap3A_85 = tpu.vector_load %arg5[%swap3A_83, %swap3A_84] {strides = array<i32>} : memref<10x128xi32, #tpu.memory_space<vmem>>, vector<16xi32>,
      tpu.vector_store %arg5[%swap3A_83, %swap3A_84], %sub3A_81 {strides = array<i32>} : memref<10x128xi32, #tpu.memory_space<vmem>>, vector<16xi32>,
      %mul3A_86 = arith.constant 2 : i32
      %mul3A_87 = vector.broadcast %mul3A_86 : i32 to vector<16xi32>
      %mul3A_88 = arith.muli %mul3A_87, %sub3A_81 : vector<16xi32>
      %gather3A_89 = tpu.vector_load_idx %arg4[%iota3A, %mul3A_88] : memref<16x2048xi32, #tpu.memory_space<vmem>>[vector<16xi32>, vector<16xi32>], vector<16xi32>,
      %mul3A_90 = arith.constant 2 : i32
      %mul3A_91 = vector.broadcast %mul3A_90 : i32 to vector<16xi32>
      %mul3A_92 = arith.muli %mul3A_91, %sub3A_81 : vector<16xi32>
      %add3A_93 = arith.constant 2 : i32
      %add3A_94 = vector.broadcast %add3A_93 : i32 to vector<16xi32>
      %add3A_95 = arith.addi %mul3A_92, %add3A_94 : vector<16xi32>
      %sub3A_96 = arith.subi %add3A_95, %gather3A_89 : vector<16xi32>
      %swap3A_97 = arith.constant 5 : i32
      %swap3A_98 = arith.index_cast %swap3A_97 : i32 to index
      %swap3A_99 = arith.index_cast %add3A_11 : i32 to index
      %swap3A_100 = tpu.vector_load %arg5[%swap3A_98, %swap3A_99] {strides = array<i32>} : memref<10x128xi32, #tpu.memory_space<vmem>>, vector<16xi32>,
      tpu.vector_store %arg5[%swap3A_98, %swap3A_99], %sub3A_96 {strides = array<i32>} : memref<10x128xi32, #tpu.memory_space<vmem>>, vector<16xi32>,
      %mul3A_101 = arith.constant 2 : i32
      %mul3A_102 = vector.broadcast %mul3A_101 : i32 to vector<16xi32>
      %mul3A_103 = arith.muli %mul3A_102, %sub3A_96 : vector<16xi32>
      %gather3A_104 = tpu.vector_load_idx %arg4[%iota3A, %mul3A_103] : memref<16x2048xi32, #tpu.memory_space<vmem>>[vector<16xi32>, vector<16xi32>], vector<16xi32>,
      %mul3A_105 = arith.constant 2 : i32
      %mul3A_106 = vector.broadcast %mul3A_105 : i32 to vector<16xi32>
      %mul3A_107 = arith.muli %mul3A_106, %sub3A_96 : vector<16xi32>
      %add3A_108 = arith.constant 2 : i32
      %add3A_109 = vector.broadcast %add3A_108 : i32 to vector<16xi32>
      %add3A_110 = arith.addi %mul3A_107, %add3A_109 : vector<16xi32>
      %sub3A_111 = arith.subi %add3A_110, %gather3A_104 : vector<16xi32>
      %swap3A_112 = arith.constant 6 : i32
      %swap3A_113 = arith.index_cast %swap3A_112 : i32 to index
      %swap3A_114 = arith.index_cast %add3A_11 : i32 to index
      %swap3A_115 = tpu.vector_load %arg5[%swap3A_113, %swap3A_114] {strides = array<i32>} : memref<10x128xi32, #tpu.memory_space<vmem>>, vector<16xi32>,
      tpu.vector_store %arg5[%swap3A_113, %swap3A_114], %sub3A_111 {strides = array<i32>} : memref<10x128xi32, #tpu.memory_space<vmem>>, vector<16xi32>,
      %mul3A_116 = arith.constant 2 : i32
      %mul3A_117 = vector.broadcast %mul3A_116 : i32 to vector<16xi32>
      %mul3A_118 = arith.muli %mul3A_117, %sub3A_111 : vector<16xi32>
      %gather3A_119 = tpu.vector_load_idx %arg4[%iota3A, %mul3A_118] : memref<16x2048xi32, #tpu.memory_space<vmem>>[vector<16xi32>, vector<16xi32>], vector<16xi32>,
      %mul3A_120 = arith.constant 2 : i32
      %mul3A_121 = vector.broadcast %mul3A_120 : i32 to vector<16xi32>
      %mul3A_122 = arith.muli %mul3A_121, %sub3A_111 : vector<16xi32>
      %add3A_123 = arith.constant 2 : i32
      %add3A_124 = vector.broadcast %add3A_123 : i32 to vector<16xi32>
      %add3A_125 = arith.addi %mul3A_122, %add3A_124 : vector<16xi32>
      %sub3A_126 = arith.subi %add3A_125, %gather3A_119 : vector<16xi32>
      %swap3A_127 = arith.constant 7 : i32
      %swap3A_128 = arith.index_cast %swap3A_127 : i32 to index
      %swap3A_129 = arith.index_cast %add3A_11 : i32 to index
      %swap3A_130 = tpu.vector_load %arg5[%swap3A_128, %swap3A_129] {strides = array<i32>} : memref<10x128xi32, #tpu.memory_space<vmem>>, vector<16xi32>,
      tpu.vector_store %arg5[%swap3A_128, %swap3A_129], %sub3A_126 {strides = array<i32>} : memref<10x128xi32, #tpu.memory_space<vmem>>, vector<16xi32>,
      %mul3A_131 = arith.constant 2 : i32
      %mul3A_132 = vector.broadcast %mul3A_131 : i32 to vector<16xi32>
      %mul3A_133 = arith.muli %mul3A_132, %sub3A_126 : vector<16xi32>
      %gather3A_134 = tpu.vector_load_idx %arg4[%iota3A, %mul3A_133] : memref<16x2048xi32, #tpu.memory_space<vmem>>[vector<16xi32>, vector<16xi32>], vector<16xi32>,
      %mul3A_135 = arith.constant 2 : i32
      %mul3A_136 = vector.broadcast %mul3A_135 : i32 to vector<16xi32>
      %mul3A_137 = arith.muli %mul3A_136, %sub3A_126 : vector<16xi32>
      %add3A_138 = arith.constant 2 : i32
      %add3A_139 = vector.broadcast %add3A_138 : i32 to vector<16xi32>
      %add3A_140 = arith.addi %mul3A_137, %add3A_139 : vector<16xi32>
      %sub3A_141 = arith.subi %add3A_140, %gather3A_134 : vector<16xi32>
      %swap3A_142 = arith.constant 8 : i32
      %swap3A_143 = arith.index_cast %swap3A_142 : i32 to index
      %swap3A_144 = arith.index_cast %add3A_11 : i32 to index
      %swap3A_145 = tpu.vector_load %arg5[%swap3A_143, %swap3A_144] {strides = array<i32>} : memref<10x128xi32, #tpu.memory_space<vmem>>, vector<16xi32>,
      tpu.vector_store %arg5[%swap3A_143, %swap3A_144], %sub3A_141 {strides = array<i32>} : memref<10x128xi32, #tpu.memory_space<vmem>>, vector<16xi32>,
      %mul3A_146 = arith.constant 2 : i32
      %mul3A_147 = vector.broadcast %mul3A_146 : i32 to vector<16xi32>
      %mul3A_148 = arith.muli %mul3A_147, %sub3A_141 : vector<16xi32>
      %gather3A_149 = tpu.vector_load_idx %arg4[%iota3A, %mul3A_148] : memref<16x2048xi32, #tpu.memory_space<vmem>>[vector<16xi32>, vector<16xi32>], vector<16xi32>,
      %mul3A_150 = arith.constant 2 : i32
      %mul3A_151 = vector.broadcast %mul3A_150 : i32 to vector<16xi32>
      %mul3A_152 = arith.muli %mul3A_151, %sub3A_141 : vector<16xi32>
      %add3A_153 = arith.constant 2 : i32
      %add3A_154 = vector.broadcast %add3A_153 : i32 to vector<16xi32>
      %add3A_155 = arith.addi %mul3A_152, %add3A_154 : vector<16xi32>
      %sub3A_156 = arith.subi %add3A_155, %gather3A_149 : vector<16xi32>
      %swap3A_157 = arith.constant 9 : i32
      %swap3A_158 = arith.index_cast %swap3A_157 : i32 to index
      %swap3A_159 = arith.index_cast %add3A_11 : i32 to index
      %swap3A_160 = tpu.vector_load %arg5[%swap3A_158, %swap3A_159] {strides = array<i32>} : memref<10x128xi32, #tpu.memory_space<vmem>>, vector<16xi32>,
      tpu.vector_store %arg5[%swap3A_158, %swap3A_159], %sub3A_156 {strides = array<i32>} : memref<10x128xi32, #tpu.memory_space<vmem>>, vector<16xi32>,
    }
    %scan3A_6 = arith.constant 8 : i32
    "tpu.region"() ({
      %run_scoped3A = tpu.sem_alloc : memref<!tpu.dma_semaphore, #tpu.memory_space<semaphore_mem>>
      %dma_start3A = arith.constant 0 : i32
      %dma_start3A_7 = arith.constant 0 : i32
      %dma_start3A_8 = tpu.memref_slice %arg3[%add3A, %dma_start3A, %dma_start3A_7] : memref<32x10x128xi32, #tpu.memory_space<hbm>> -> memref<1x10x128xi32, #tpu.memory_space<hbm>>
      %dma_start3A_9 = tpu.memref_squeeze %dma_start3A_8 : memref<1x10x128xi32, #tpu.memory_space<hbm>> -> memref<10x128xi32, #tpu.memory_space<hbm>>
      %dma_start3A_10 = arith.constant 0 : i32
      %dma_start3A_11 = arith.constant 0 : i32
      %dma_start3A_12 = tpu.memref_slice %arg3[%add3A, %dma_start3A_10, %dma_start3A_11] : memref<32x10x128xi32, #tpu.memory_space<hbm>> -> memref<1x10x128xi32, #tpu.memory_space<hbm>>
      %dma_start3A_13 = tpu.memref_squeeze %dma_start3A_12 : memref<1x10x128xi32, #tpu.memory_space<hbm>> -> memref<10x128xi32, #tpu.memory_space<hbm>>
      tpu.enqueue_dma source(%arg5 : memref<10x128xi32, #tpu.memory_space<vmem>>) target(%dma_start3A_13 : memref<10x128xi32, #tpu.memory_space<hbm>>) target_semaphore(%run_scoped3A : memref<!tpu.dma_semaphore, #tpu.memory_space<semaphore_mem>>)
      %dma_wait3A = arith.constant 0 : i32
      %dma_wait3A_14 = arith.constant 0 : i32
      %dma_wait3A_15 = tpu.memref_slice %arg3[%add3A, %dma_wait3A, %dma_wait3A_14] : memref<32x10x128xi32, #tpu.memory_space<hbm>> -> memref<1x10x128xi32, #tpu.memory_space<hbm>>
      %dma_wait3A_16 = tpu.memref_squeeze %dma_wait3A_15 : memref<1x10x128xi32, #tpu.memory_space<hbm>> -> memref<10x128xi32, #tpu.memory_space<hbm>>
      %dma_wait3A_17 = arith.constant 0 : i32
      %dma_wait3A_18 = arith.constant 0 : i32
      %dma_wait3A_19 = tpu.memref_slice %arg3[%add3A, %dma_wait3A_17, %dma_wait3A_18] : memref<32x10x128xi32, #tpu.memory_space<hbm>> -> memref<1x10x128xi32, #tpu.memory_space<hbm>>
      %dma_wait3A_20 = tpu.memref_squeeze %dma_wait3A_19 : memref<1x10x128xi32, #tpu.memory_space<hbm>> -> memref<10x128xi32, #tpu.memory_space<hbm>>
      tpu.wait_dma2 semaphore(%run_scoped3A : memref<!tpu.dma_semaphore, #tpu.memory_space<semaphore_mem>>) src(%arg5 : memref<10x128xi32, #tpu.memory_space<vmem>>) dst(%dma_wait3A_20 : memref<10x128xi32, #tpu.memory_space<hbm>>)
      tpu.yield
    }) : () -> ()
    return
  }
}

module attributes {stable_mosaic.version = 14 : i64} {
  func.func @_scores_kernel(%arg0: i32, %arg1: memref<512x2048xf32, #tpu.memory_space<vmem>>, %arg2: memref<2048x2048xbf16, #tpu.memory_space<vmem>>, %arg3: memref<2048x2048xbf16, #tpu.memory_space<vmem>>, %arg4: memref<512x2048xi32, #tpu.memory_space<vmem>>) attributes {dimension_semantics = [#tpu.dimension_semantics<arbitrary>], iteration_bounds = array<i64: 8>, scalar_prefetch = 0 : i64, scratch_operands = 0 : i64, tpu.core_type = #tpu.core_type<tc>, window_params = [{transform_indices = @transform_0, window_bounds = array<i64: 512, 2048>}, {pipeline_mode = #tpu.pipeline_mode<synchronous>, transform_indices = @transform_1, window_bounds = array<i64: 2048, 2048>}, {pipeline_mode = #tpu.pipeline_mode<synchronous>, transform_indices = @transform_2, window_bounds = array<i64: 2048, 2048>}, {transform_indices = @transform_3, window_bounds = array<i64: 512, 2048>}]} {
    %get3A = arith.constant 0 : index
    %get3A_0 = arith.constant 0 : index
    %get3A_1 = vector.load %arg1[%get3A, %get3A_0] : memref<512x2048xf32, #tpu.memory_space<vmem>>, vector<512x2048xf32>
    %convert_element_type3A = arith.truncf %get3A_1 : vector<512x2048xf32> to vector<512x2048xbf16>
    %get3A_2 = arith.constant 0 : index
    %get3A_3 = arith.constant 0 : index
    %get3A_4 = vector.load %arg2[%get3A_2, %get3A_3] : memref<2048x2048xbf16, #tpu.memory_space<vmem>>, vector<2048x2048xbf16>
    %dot_general3A = arith.constant dense<0.000000e+00> : vector<512x2048xf32>
    %dot_general3A_5 = tpu.matmul %convert_element_type3A, %get3A_4, %dot_general3A {dimension_numbers = #tpu.dot_dimension_numbers<[1], [0], [0], [1], [0, 0, 1, 1], [], []>, transpose_lhs_hint = false} : vector<512x2048xbf16>, vector<2048x2048xbf16>, vector<512x2048xf32> -> vector<512x2048xf32>
    %convert_element_type3A_6 = arith.truncf %dot_general3A_5 : vector<512x2048xf32> to vector<512x2048xbf16>
    %get3A_7 = arith.constant 0 : index
    %get3A_8 = arith.constant 0 : index
    %get3A_9 = vector.load %arg3[%get3A_7, %get3A_8] : memref<2048x2048xbf16, #tpu.memory_space<vmem>>, vector<2048x2048xbf16>
    %dot_general3A_10 = arith.constant dense<0.000000e+00> : vector<512x2048xf32>
    %dot_general3A_11 = tpu.matmul %convert_element_type3A_6, %get3A_9, %dot_general3A_10 {dimension_numbers = #tpu.dot_dimension_numbers<[1], [0], [0], [1], [0, 0, 1, 1], [], []>, transpose_lhs_hint = false} : vector<512x2048xbf16>, vector<2048x2048xbf16>, vector<512x2048xf32> -> vector<512x2048xf32>
    %slice3A = vector.extract_strided_slice %dot_general3A_11 {offsets = [0, 1], sizes = [512, 2047], strides = [1, 1]} : vector<512x2048xf32> to vector<512x2047xf32>
    %slice3A_12 = vector.extract_strided_slice %dot_general3A_11 {offsets = [0, 0], sizes = [512, 1], strides = [1, 1]} : vector<512x2048xf32> to vector<512x1xf32>
    %concatenate3A = tpu.concatenate %slice3A, %slice3A_12 in 1 : vector<512x2047xf32>, vector<512x1xf32> -> vector<512x2048xf32>
    %ge3A = arith.cmpf oge, %dot_general3A_11, %concatenate3A : vector<512x2048xf32>
    %convert_element_type3A_13 = arith.extui %ge3A : vector<512x2048xi1> to vector<512x2048xi32>
    %swap3A = arith.constant 0 : index
    %swap3A_14 = arith.constant 0 : index
    %swap3A_15 = vector.load %arg4[%swap3A, %swap3A_14] : memref<512x2048xi32, #tpu.memory_space<vmem>>, vector<512x2048xi32>
    tpu.vector_store %arg4[%swap3A, %swap3A_14], %convert_element_type3A_13 {strides = array<i32>} : memref<512x2048xi32, #tpu.memory_space<vmem>>, vector<512x2048xi32>,
    return
  }
  func.func @transform_0(%arg0: i32) -> (i32, i32) {
    %c0_i32 = arith.constant 0 : i32
    %c0_i32_0 = arith.constant 0 : i32
    return %arg0, %c0_i32 : i32, i32
  }
  func.func @transform_1(%arg0: i32) -> (i32, i32) {
    %c0_i32 = arith.constant 0 : i32
    %c0_i32_0 = arith.constant 0 : i32
    %c0_i32_1 = arith.constant 0 : i32
    return %c0_i32, %c0_i32_0 : i32, i32
  }
  func.func @transform_2(%arg0: i32) -> (i32, i32) {
    %c0_i32 = arith.constant 0 : i32
    %c0_i32_0 = arith.constant 0 : i32
    %c0_i32_1 = arith.constant 0 : i32
    return %c0_i32, %c0_i32_0 : i32, i32
  }
  func.func @transform_3(%arg0: i32) -> (i32, i32) {
    %c0_i32 = arith.constant 0 : i32
    %c0_i32_0 = arith.constant 0 : i32
    return %arg0, %c0_i32 : i32, i32
  }
}

</mosaic_0001>

<sc_bundles>
// kernel: kernel.4.cloned.1.call-start
scs
__scs_entry_jumppad:
0x0: {  	(pc) =	sbr.rel $0x88, $3  }
0x1: {  	(tag) =	ssettag $0x0;
	lr =	simm.s32 $0x1  }
0x2: {  	[smem:$0x3F9E] =	sst lr;
	_ =	strace $0xD0000000  }
0x3: {  	_ = 	snop  }
0x4: {  	_ = 	snop  }
0x5: {  	_ = 	snop  }
0x6: {  	_ = 	snop  }
0x7: {  	_ = 	snop  }
__scs_overlays_trampoline_lowered:
0x8: {  	[smem:$0x3FAD] =	sst s0  }
0x9: {  	[smem:$0x3FAE] =	sst s1  }
0xa: {  	[smem:$0x3FAF] =	sst s2  }
0xb: {  	[smem:$0x3FB0] =	sst s3  }
0xc: {  	[smem:$0x3FB1] =	sst s4  }
0xd: {  	[smem:$0x3FB2] =	sst s5  }
0xe: {  	[smem:$0x3FB3] =	sst s6  }
0xf: {  	[smem:$0x3FB4] =	sst s7  }
0x10: {  	[smem:$0x3FB5] =	sst s8  }
0x11: {  	[smem:$0x3FB6] =	sst s9;
	s0 =	simm.s32 @!p0 $0x0  }
0x12: {  	s1 =	sld [smem:$0x3F9C];
	s0 =	simm.s32 @p0 $0x1  }
0x13: {  	[smem:$0x3FB7] =	sst s0;
	s0 =	simm.s32 @!p1 $0x0  }
0x14: {  	s2 =	sld [smem:$0x3F9B];
	s0 =	simm.s32 @p1 $0x1  }
0x15: {  	[smem:$0x3FB8] =	sst s0;
	s0 =	simm.s32 @!p2 $0x0  }
0x16: {  	s3 =	sld [smem:$0x3FDB];
	s0 =	simm.s32 @p2 $0x1  }
0x17: {  	s4 =	simm.s32 $0x1BF5;
	[smem:$0x3FBA] =	sst s0  }
0x18: {  	s0 =	sld [smem:$0x3F9D];
	_ =	swait.ge [sflag:s4], $0x0  }
0x19: {  	s7 =	sld [smem:$0x3F9E]  }
0x1a: {  	s8 =	sadd.s32 $0xFFFFE003, lr  }
0x1b: {  	s9 =	sadd.s32 $0xFFFFFEF7, lr;
	s5 =	simm.s32 $0xFFFFFFFF;
	p2 =	slt.u32 s8, $0xFFFFF086  }
0x1c: {  	p1 =	slt.u32 s9, $0xF7A;
	s5 =	simm.s32 @!p2 $0x0  }
0x1d: {  	s5 =	simm.s32 @p1 $0x1;
	p0 =	seq.s32 s7, s2  }
0x1e: {  	s7 =	smul.u32 @!p0 $0xF7A, s2;
	p2 =	seq.s32 @!p0 s5, $0x0  }
0x1f: {  	s9 =	smul.u32 $0xF7A, s1;
	s8 =	simm.s32 @!p0 $0x1BF5;
	p2 =	por !p2, p0  }
0x20: {  	[sflag:s8] =	ssyncset.s32 @!p0 $0xFFFFF086;
	s6 =	sadd.s32 @!p0 s3, s7;
	s7 =	simm.s32 @!p0 $0x108  }
0x21: {  	s3 =	sadd.s32 s3, s9;
	s6 =	sadd.s32 @!p0 $0x88, s6;
	s7 =	simm.s32 @p2 $0x1082  }
0x22: {  	[simem:s7], [sflag:s8] =	dma.local @!p0 [hbm:s6], $0xF7A  }
0x23: {  	s9 =	sor.u32 $0xD0000000, s2;
	s6 =	simm.s32 $0x108;
	_ =	swait.ge @!p0 [sflag:s8], $0x0  }
0x24: {  	s3 =	sadd.s32 $0x88, s3;
	s6 =	simm.s32 @!p1 $0x1082;
	[sflag:s4] =	ssyncset.s32 $0xFFFFF086  }
0x25: {  	[simem:s6], [sflag:s4] =	dma.local [hbm:s3], $0xF7A  }
0x26: {  	[smem:$0x3F9E] =	sst s1;
	(tag) =	ssettag s2;
	_ =	strace s9  }
0x27: {  	s1 =	sld [smem:$0x3FAE]  }
0x28: {  	s2 =	sld [smem:$0x3FAF]  }
0x29: {  	s4 =	sld [smem:$0x3FB1]  }
0x2a: {  	p0 =	seq.s32 s5, $0x0;
	s5 =	sld [smem:$0x3FB2]  }
0x2b: {  	s6 =	sld [smem:$0x3FB3]  }
0x2c: {  	s7 =	sld [smem:$0x3FB4]  }
0x2d: {  	s3 =	simm.s32 $0x108;
	s8 =	sld [smem:$0x3FB5]  }
0x2e: {  	s3 =	simm.s32 @!p0 $0x1082;
	s9 =	sld [smem:$0x3FB6]  }
0x2f: {  	lr =	sadd.s32 s0, s3;
	s0 =	sld [smem:$0x3FAD]  }
0x30: {  	s3 =	sld [smem:$0x3FB0]  }
0x31: {  	[smem:$0x3FB9] =	sst s10  }
0x32: {  	s10 =	sld [smem:$0x3FB7];
	_ =	sdelay $0x3  }
0x33: {  	p0 =	seq.s32 s10, $0x1;
	s10 =	sld [smem:$0x3FB9];
	_ =	sdelay $0x3  }
0x34: {  	[smem:$0x3FB9] =	sst s10  }
0x35: {  	s10 =	sld [smem:$0x3FB8];
	_ =	sdelay $0x3  }
0x36: {  	p1 =	seq.s32 s10, $0x1;
	s10 =	sld [smem:$0x3FB9];
	_ =	sdelay $0x3  }
0x37: {  	[smem:$0x3FB9] =	sst s10  }
0x38: {  	s10 =	sld [smem:$0x3FBA]  }
0x39: {  	_ = 	snop;
	(pc) =	sbr.ind lr, $3  }
0x3a: {  	_ = 	snop  }
0x3b: {  	_ = 	snop  }
0x3c: {  	p2 =	seq.s32 s10, $0x1;
	s10 =	sld [smem:$0x3FB9]  }
0x3d: {  	_ =	shalt  }
0x3e: {  	_ =	shalt  }
0x3f: {  	_ =	shalt  }
0x40: {  	_ =	shalt  }
0x41: {  	_ =	shalt  }
0x42: {  	_ =	shalt  }
0x43: {  	_ =	shalt  }
0x44: {  	_ =	shalt  }
0x45: {  	_ =	shalt  }
0x46: {  	_ =	shalt  }
0x47: {  	_ =	shalt  }
0x48: {  	_ =	shalt  }
0x49: {  	_ =	shalt  }
0x4a: {  	_ =	shalt  }
0x4b: {  	_ =	shalt  }
0x4c: {  	_ =	shalt  }
0x4d: {  	_ =	shalt  }
0x4e: {  	_ =	shalt  }
0x4f: {  	_ =	shalt  }
0x50: {  	_ =	shalt  }
0x51: {  	_ =	shalt  }
0x52: {  	_ =	shalt  }
0x53: {  	_ =	shalt  }
0x54: {  	_ =	shalt  }
0x55: {  	_ =	shalt  }
0x56: {  	_ =	shalt  }
0x57: {  	_ =	shalt  }
0x58: {  	_ =	shalt  }
0x59: {  	_ =	shalt  }
0x5a: {  	_ =	shalt  }
0x5b: {  	_ =	shalt  }
0x5c: {  	_ =	shalt  }
0x5d: {  	_ =	shalt  }
0x5e: {  	_ =	shalt  }
0x5f: {  	_ =	shalt  }
0x60: {  	_ =	shalt  }
0x61: {  	_ =	shalt  }
0x62: {  	_ =	shalt  }
0x63: {  	_ =	shalt  }
0x64: {  	_ =	shalt  }
0x65: {  	_ =	shalt  }
0x66: {  	_ =	shalt  }
0x67: {  	_ =	shalt  }
0x68: {  	_ =	shalt  }
0x69: {  	_ =	shalt  }
0x6a: {  	_ =	shalt  }
0x6b: {  	_ =	shalt  }
0x6c: {  	_ =	shalt  }
0x6d: {  	_ =	shalt  }
0x6e: {  	_ =	shalt  }
0x6f: {  	_ =	shalt  }
0x70: {  	_ =	shalt  }
0x71: {  	_ =	shalt  }
0x72: {  	_ =	shalt  }
0x73: {  	_ =	shalt  }
0x74: {  	_ =	shalt  }
0x75: {  	_ =	shalt  }
0x76: {  	_ =	shalt  }
0x77: {  	_ =	shalt  }
0x78: {  	_ =	shalt  }
0x79: {  	_ =	shalt  }
0x7a: {  	_ =	shalt  }
0x7b: {  	_ =	shalt  }
0x7c: {  	_ =	shalt  }
0x7d: {  	_ =	shalt  }
0x7e: {  	_ =	shalt  }
0x7f: {  	_ =	shalt  }
0x80: {  	_ =	shalt  }
0x81: {  	_ =	shalt  }
0x82: {  	_ =	shalt  }
0x83: {  	_ =	shalt  }
0x84: {  	_ =	shalt  }
0x85: {  	_ =	shalt  }
0x86: {  	_ =	shalt  }
0x87: {  	_ =	shalt  }
.Lfunc_end0:
.L_simem_size_0:
called_computation_lowered:
.L_overlay_start_0:
0x88: {  	s2 =	sld [smem:$0x3FD9]  }
0x89: {  	s3 =	sld [smem:$0x3FFE];
	_ =	sdelay $0x1  }
0x8a: {  	s1 =	srdreg.scid  }
0x8b: {  	s0 =	sand.u32 $0x1, s1  }
0x8c: {  	s17 =	sshll.u32 s0, $0xA;
	s2 =	sadd.s32 s3, s2  }
0x8d: {  	s2 =	sadd.s32 s2, s17  }
0x8e: {  	[smem:$0x3FC5] =	sst s2  }
0x8f: {  	_ = 	snop  }
0x90: {  	s2 =	sld [smem:$0x3FD0];
	(tm) =	ssettm $0x1  }
0x91: {  	s18 =	sld [smem:$0x3FFB];
	_ =	sdelay $0x3  }
0x92: {  	_ =	strace s18  }
0x93: {  	s3 =	sld [smem:$0x3FFC];
	_ =	sdelay $0x3  }
0x94: {  	_ =	strace s3  }
0x95: {  	s3 =	sld [smem:$0x3FFD];
	_ =	sdelay $0x3  }
0x96: {  	_ =	strace s3  }
0x97: {  	_ =	strace $0x8FFFFFFF  }
0x98: {  	s19 =	sld [smem:$0x3FDB];
	_ =	sdelay $0x1  }
0x99: {  	s4 =	simm.s32 $_scs_section_size  }
0x9a: {  	s5 =	simm.s32 $_size__tile_overlayer_lowered;
	s6 =	simm.s32 $_tile_overlayer_lowered  }
0x9b: {  	s22 =	simm.s32 $0x1BFF;
	s21 =	sshll.u32 s6, $0x1;
	s3 =	sadd.s32 s4, s19  }
0x9c: {  	s7 =	simm.s32 $0x0;
	s20 =	sshll.u32 s5, $0x1;
	s5 =	sadd.s32 s21, s3  }
0x9d: {  	[timem:s7], [sflag:s22] =	dma.local [hbm:s5], s20  }
0x9e: {  	_ =	swait.ge [sflag:s22], s20  }
0x9f: {  	s4 =	ssub.s32 $0x0, s20;
	[sflag:s22] =	ssyncset.done $0x0  }
0xa0: {  	[sflag:s22] =	ssyncadd.s32 s4;
	_ =	sdelay $0x1  }
0xa1: {  	s23 =	simm.s32 $0x1B8B  }
0xa2: {  	_ =	swait.ge [sflag:s23], $0x1  }
0xa3: {  	[sflag:s23] =	ssyncset.done $0x0  }
0xa4: {  	s25 =	simm.s32 $0x1B8E;
	s24 =	sld [smem:$0x3FFE];
	[sflag:s23] =	ssyncadd.s32 $0xFFFFFFFF  }
0xa5: {  	s26 =	simm.s32 $execute0_lowered;
	[smem:$0x3FD2] =	sst s25  }
0xa6: {  	s5 =	sshll.u32 s26, $0x1;
	_ =	strace $0x80000046;
	[dreg:$0x1] =	wrdreg $0xFFFFFFFF  }
0xa7: {  	s28 =	simm.s32 $_size_execute0_lowered;
	s3 =	sadd.s32 s3, s5;
	[dreg:$0x0] =	wrdreg $0x0  }
0xa8: {  	s5 =	sshll.u32 s28, $0x1;
	[dreg:$0x2] =	wrdreg s3  }
0xa9: {  	[dreg:$0x3] =	wrdreg s5  }
0xaa: {  	[dreg:$0x4] =	wrdreg $0xC0  }
0xab: {  	_ =	task [dreg:s7], $0x5FFFF  }
0xac: {  	[dreg:$0x1] =	wrdreg $0xFFFFFFFF  }
0xad: {  	[dreg:$0x0] =	wrdreg $0x60  }
0xae: {  	[dreg:$0x2] =	wrdreg s24  }
0xaf: {  	[dreg:$0x3] =	wrdreg s2  }
0xb0: {  	[dreg:$0x4] =	wrdreg $0x9  }
0xb1: {  	_ =	task.clear_ibuf [dreg:s7], $0x5FFFF;
	_ =	strace $0x90000046  }
0xb2: {  	s29 =	simm.s32 $0x9;
	_ =	strace $0x80000048  }
0xb3: {  	_ =	swait.ge [sflag:s29], $0x1  }
0xb4: {  	[sflag:s29] =	ssyncadd.s32 $0xFFFFFFFF  }
0xb5: {  	_ =	strace $0x90000048  }
0xb6: {  	_ =	sfence  }
0xb7: {  	s30 =	sld [smem:$0x0];
	_ =	sdelay $0x2  }
0xb8: {  	s31 =	sshll.u32 s1, $0xD;
	s1 =	sshrl.u32 s1, $0x2  }
0xb9: {  	s3 =	sand.u32 $0x4000, s31;
	s1 =	sadd.s32 s1, s30  }
0xba: {  	s0 =	sor.u32 s3, s0;
	s1 =	sshll.u32 s1, $0x11  }
0xbb: {  	s0 =	sor.u32 s1, s0  }
0xbc: {  	s0 =	sadd.s32 $0x8F2B, s0  }
0xbd: {  	[sflag:s0] =	ssyncadd.remote.s32 $0x1  }
0xbe: {  	_ =	sfence.sel $0xFFFF  }
0xbf: {  	[dreg:$0x0] =	wrdreg $0xFFFFFFFF;
	(pc) =	sbr.abs _section_cstart, $3  }
0xc0: {  	[dreg:$0x1] =	wrdreg $0xFFFFFFFF  }
0xc1: {  	_ =	task.clear_ibuf [dreg:s7], $0x2FFFF;
	_ =	strace $0x9FFFFFFF  }
0xc2: {  	(tm) =	ssettm $0x7FFFFFFF  }
0xc3: {  	_ =	shalt  }
tec
execute0_lowered:
.L_overlay_start_1:
0x0: {  	(tag) =	ssettag $0x1  }
0x1: {  	v0 =	vimm.s32 $0x4380;
	vm0 =	vcmask $0x300  }
0x2: {  	vm14 =	vcmask $0x704;
	v0 =	vsel vm0, $0x0, v0  }
0x3: {  	vm15 =	vcmask $0xB08;
	v0 =	vsel vm14, $0x80, v0  }
0x4: {  	vm4 =	vcmask $0xF0C;
	v0 =	vsel vm15, $0x100, v0  }
0x5: {  	vm5 =	vcmask $0x1310;
	v0 =	vsel vm4, $0x180, v0  }
0x6: {  	vm6 =	vcmask $0x1714;
	v0 =	vsel vm5, $0x200, v0  }
0x7: {  	vm7 =	vcmask $0x1B18;
	v0 =	vsel vm6, $0x280, v0  }
0x8: {  	s3 =	rddreg [dreg:$0x0];
	s0 =	srdreg.scid;
	vm8 =	vcmask $0x1F1C;
	v0 =	vsel vm7, $0x300, v0  }
0x9: {  	s4 =	rddreg [dreg:$0x1];
	vm9 =	vcmask $0x2320;
	s1 =	stileid.u32;
	v0 =	vsel vm8, $0x380, v0  }
0xa: {  	vm10 =	vcmask $0x2724;
	s2 =	simm.s32 $0x0;
	s5 =	sand.u32 $0x1, s0;
	s0 =	rddreg [dreg:$0x2];
	v0 =	vsel vm9, $0x4000, v0  }
0xb: {  	vm11 =	vcmask $0x2B28;
	s7 =	sshll.u32 s1, $0x10;
	[smem:$0x7FF] =	sst s2;
	s30 =	sshll.u32 s1, $0x9;
	v0 =	vsel vm10, $0x4080, v0  }
0xc: {  	vm12 =	vcmask $0x2F2C;
	s6 =	ssub.s32 $0x2, s5;
	s3 =	sadd.s32 s7, s3;
	s31 =	sshll.u32 s5, $0x8;
	v0 =	vsel vm11, $0x4100, v0  }
0xd: {  	vm13 =	vcmask $0x3330;
	s5 =	sshll.u32 s5, $0xF;
	_ =	strace $0x80000047;
	s8 =	sshrl.u32 s6, $0x1;
	v0 =	vsel vm12, $0x4180, v0  }
0xe: {  	vm14 =	vcmask $0x3734;
	s7 =	sor.u32 s31, s30;
	s5 =	sadd.s32 s5, s3;
	s6 =	ssub.s32 s6, s8;
	v0 =	vsel vm13, $0x4200, v0  }
0xf: {  	vm15 =	vcmask $0x3B38;
	s3 =	sadd.s32 s4, s7;
	s5 =	sadd.s32 $0x600, s5;
	s7 =	simm.s32 $0x8000;
	v0 =	vsel vm14, $0x4280, v0  }
0x10: {  	s8 =	simm.s32 $0x0;
	s4 =	smax.u32 s6, $0x1;
	s6 =	simm.s32 $0x1;
	v0 =	vsel vm15, $0x4300, v0  }
.LBB2_1:
0x11: {  	s9 =	simm.s32 $0x8280;
	s10 =	simm.s32 $0x0  }
.LBB2_2:
0x12: {  	s11 =	sadd.s32 s10, s5  }
0x13: {  	[tilespmem:s2], [sflag:$0x1] =	stream.linear.gather [hbm4b:s11+s2], $0x8000, $0x38;
	[tilespmem:$0x8800] =	vst v63  }
0x14: {  	_ =	swait.ge [sflag:s6], $0x8000  }
0x15: {  	[sflag:s6] =	ssyncset.done $0x0  }
0x16: {  	[sflag:s6] =	ssyncadd.s32 $0xFFFF8000  }
0x17: {  	v1 =	vld.idx.msk [tilespmem:v0+s2+$0x0], $0xffff;
	_ =	sdelay $0x4  }
0x18: {  	v1 =	vsub.s32 $0x2, v1  }
0x19: {  	v2 =	vshll.u32 v1, $0x1;
	v3 =	vshll.u32 v1, $0x4  }
0x1a: {  	v4 =	vand.u32 $0x7E, v2;
	v3 =	vand.u32 $0xFFFFFC00, v3  }
0x1b: {  	v3 =	vor.u32 v4, v3  }
0x1c: {  	v3 =	vadd.s32 v0, v3;
	_ =	sdelay $0x3  }
0x1d: {  	[tilespmem:s9+$0xFFFFFD80] =	vst v1  }
0x1e: {  	v1 =	vld.idx.msk [tilespmem:v3+s2+$0x0], $0xffff;
	_ =	sdelay $0x4  }
0x1f: {  	v1 =	vsub.s32 v2, v1  }
0x20: {  	v1 =	vadd.s32 $0x2, v1  }
0x21: {  	v2 =	vshll.u32 v1, $0x1;
	v3 =	vshll.u32 v1, $0x4  }
0x22: {  	v56 =	vand.u32 $0x7E, v2;
	v3 =	vand.u32 $0xFFFFFC00, v3  }
0x23: {  	v3 =	vor.u32 v56, v3  }
0x24: {  	v3 =	vadd.s32 v0, v3;
	_ =	sdelay $0x3  }
0x25: {  	[tilespmem:s9+$0xFFFFFE00] =	vst v1  }
0x26: {  	v1 =	vld.idx.msk [tilespmem:v3+s2+$0x0], $0xffff;
	_ =	sdelay $0x4  }
0x27: {  	v1 =	vsub.s32 v2, v1  }
0x28: {  	v1 =	vadd.s32 $0x2, v1  }
0x29: {  	v2 =	vshll.u32 v1, $0x1;
	v3 =	vshll.u32 v1, $0x4  }
0x2a: {  	v57 =	vand.u32 $0x7E, v2;
	v3 =	vand.u32 $0xFFFFFC00, v3  }
0x2b: {  	v3 =	vor.u32 v57, v3  }
0x2c: {  	v3 =	vadd.s32 v0, v3;
	_ =	sdelay $0x3  }
0x2d: {  	[tilespmem:s9+$0xFFFFFE80] =	vst v1  }
0x2e: {  	v1 =	vld.idx.msk [tilespmem:v3+s2+$0x0], $0xffff;
	_ =	sdelay $0x4  }
0x2f: {  	v1 =	vsub.s32 v2, v1  }
0x30: {  	v1 =	vadd.s32 $0x2, v1  }
0x31: {  	v2 =	vshll.u32 v1, $0x1;
	v3 =	vshll.u32 v1, $0x4  }
0x32: {  	v58 =	vand.u32 $0x7E, v2;
	v3 =	vand.u32 $0xFFFFFC00, v3  }
0x33: {  	v3 =	vor.u32 v58, v3  }
0x34: {  	v3 =	vadd.s32 v0, v3;
	_ =	sdelay $0x3  }
0x35: {  	[tilespmem:s9+$0xFFFFFF00] =	vst v1  }
0x36: {  	v1 =	vld.idx.msk [tilespmem:v3+s2+$0x0], $0xffff;
	_ =	sdelay $0x4  }
0x37: {  	v1 =	vsub.s32 v2, v1  }
0x38: {  	v1 =	vadd.s32 $0x2, v1  }
0x39: {  	v2 =	vshll.u32 v1, $0x1;
	v3 =	vshll.u32 v1, $0x4  }
0x3a: {  	v59 =	vand.u32 $0x7E, v2;
	v3 =	vand.u32 $0xFFFFFC00, v3  }
0x3b: {  	v3 =	vor.u32 v59, v3  }
0x3c: {  	v3 =	vadd.s32 v0, v3;
	_ =	sdelay $0x3  }
0x3d: {  	[tilespmem:s9+$0xFFFFFF80] =	vst v1  }
0x3e: {  	v1 =	vld.idx.msk [tilespmem:v3+s2+$0x0], $0xffff;
	_ =	sdelay $0x4  }
0x3f: {  	v1 =	vsub.s32 v2, v1  }
0x40: {  	v1 =	vadd.s32 $0x2, v1  }
0x41: {  	v2 =	vshll.u32 v1, $0x1;
	v3 =	vshll.u32 v1, $0x4  }
0x42: {  	v60 =	vand.u32 $0x7E, v2;
	v3 =	vand.u32 $0xFFFFFC00, v3  }
0x43: {  	v3 =	vor.u32 v60, v3  }
0x44: {  	v3 =	vadd.s32 v0, v3;
	_ =	sdelay $0x3  }
0x45: {  	[tilespmem:s9+$0x0] =	vst v1  }
0x46: {  	v1 =	vld.idx.msk [tilespmem:v3+s2+$0x0], $0xffff;
	_ =	sdelay $0x4  }
0x47: {  	v1 =	vsub.s32 v2, v1  }
0x48: {  	v1 =	vadd.s32 $0x2, v1  }
0x49: {  	v2 =	vshll.u32 v1, $0x1;
	v3 =	vshll.u32 v1, $0x4  }
0x4a: {  	v61 =	vand.u32 $0x7E, v2;
	v3 =	vand.u32 $0xFFFFFC00, v3  }
0x4b: {  	v3 =	vor.u32 v61, v3  }
0x4c: {  	v3 =	vadd.s32 v0, v3;
	_ =	sdelay $0x3  }
0x4d: {  	[tilespmem:s9+$0x80] =	vst v1  }
0x4e: {  	v1 =	vld.idx.msk [tilespmem:v3+s2+$0x0], $0xffff;
	_ =	sdelay $0x4  }
0x4f: {  	v1 =	vsub.s32 v2, v1  }
0x50: {  	v1 =	vadd.s32 $0x2, v1  }
0x51: {  	v2 =	vshll.u32 v1, $0x1;
	v3 =	vshll.u32 v1, $0x4  }
0x52: {  	v62 =	vand.u32 $0x7E, v2;
	v3 =	vand.u32 $0xFFFFFC00, v3  }
0x53: {  	v3 =	vor.u32 v62, v3  }
0x54: {  	v3 =	vadd.s32 v0, v3;
	_ =	sdelay $0x3  }
0x55: {  	[tilespmem:s9+$0x100] =	vst v1  }
0x56: {  	v1 =	vld.idx.msk [tilespmem:v3+s2+$0x0], $0xffff;
	_ =	sdelay $0x4  }
0x57: {  	v1 =	vsub.s32 v2, v1  }
0x58: {  	v1 =	vadd.s32 $0x2, v1  }
0x59: {  	v2 =	vshll.u32 v1, $0x1;
	v3 =	vshll.u32 v1, $0x4  }
0x5a: {  	v63 =	vand.u32 $0x7E, v2;
	v3 =	vand.u32 $0xFFFFFC00, v3  }
0x5b: {  	v3 =	vor.u32 v63, v3  }
0x5c: {  	v3 =	vadd.s32 v0, v3;
	_ =	sdelay $0x3  }
0x5d: {  	[tilespmem:s9+$0x180] =	vst v1  }
0x5e: {  	v1 =	vld.idx.msk [tilespmem:v3+s2+$0x0], $0xffff;
	_ =	sdelay $0x1  }
0x5f: {  	p0 =	sne.s32 s10, $0x7000  }
.Ltmp0:
0x60: {  	_ = 	snop;
	(pc) =	sbr.rel @p0 .LBB2_2-.Ltmp0, $4  }
0x61: {  	_ = 	snop  }
0x62: {  	v1 =	vsub.s32 v2, v1  }
0x63: {  	v1 =	vadd.s32 $0x2, v1  }
0x64: {  	s10 =	sadd.s32 $0x1000, s10;
	[tilespmem:s9+$0x200] =	vst v1;
	s9 =	sadd.s32 $0x10, s9  }
0x65: {  	s8 =	sadd.s32 $0x1, s8  }
0x66: {  	p0 =	sne.s32 s8, s4  }
.Ltmp1:
0x67: {  	_ = 	snop;
	(pc) =	sbr.rel @p0 .LBB2_1-.Ltmp1, $4  }
0x68: {  	[hbm4b:s3+s2] =	stream.linear.scatter [tilespmem:s7], [sflag:$0x1], $0x500, $0x38;
	[tilespmem:$0x8800] =	vst v63  }
0x69: {  	_ =	swait.ge [sflag:s6], $0x500  }
0x6a: {  	[sflag:s6] =	ssyncset.done $0x0  }
0x6b: {  	[sflag:s6] =	ssyncadd.s32 $0xFFFFFB00  }
0x6c: {  	_ =	sfence.sel $0x180000  }
0x6d: {  	[bflag:$0x0] =	sbarrier.arrive $0xFFFF  }
0x6e: {  	p0 =	sne.s32 s1, $0x0;
	_ =	strace $0x90000047  }
0x6f: {  	s0 =	sadd.s32 @!p0 $0x100000, s0;
	[bflag:$0x2] =	sbarrier.arrive $0xFFFF  }
0x70: {  	[sflag:s0] =	ssyncadd.tile.s32 @!p0 $0x1;
	_ =	shalt  }
.Lfunc_end2:
_tile_overlayer_lowered:
.L_overlay_start_2:
0x71: {  	(tag) =	ssettag $0x2  }
0x72: {  	s0 =	rddreg [dreg:$0x0];
	s2 =	stileid.u32  }
0x73: {  	s1 =	rddreg [dreg:$0x1];
	p0 =	sne.s32 s2, $0x0  }
0x74: {  	s3 =	rddreg [dreg:$0x2];
	[bflag:$0x3] =	sbarrier.arrive $0xFFFF;
	s2 =	simm.s32 @!p0 $0x1C01  }
0x75: {  	[timem:s3], [sflag:s2] =	dma.local @!p0 [hbm:s0], s1  }
0x76: {  	s0 =	simm.s32 @!p0 $0x1  }
0x77: {  	_ =	swait.ge @!p0 [sflag:s0], s1  }
0x78: {  	s1 =	ssub.s32 @!p0 $0x0, s1;
	[sflag:s0] =	ssyncset.done @!p0 $0x0  }
0x79: {  	[sflag:s0] =	ssyncadd.s32 @!p0 s1  }
0x7a: {  	[bflag:$0x3] =	sbarrier.arrive $0xFFFF  }
0x7b: {  	_ =	shalt  }

</sc_bundles>
